<compile_context>
chip_gen: v7x
topology: tpu7x:2x2x1
jax: 0.10.2.dev20260603
libtpu: 0.0.44.dev20260713+nightly
codegen_flags: <defaults>
</compile_context>

<pallas_src>
import functools

import jax
import jax.numpy as jnp
from jax import lax
from jax.experimental import pallas as pl
from jax.experimental.pallas import tpu as pltpu
from jax.experimental.pallas import tpu_sc as plsc

B = 4
S = 8192
D = 1024
NC = 2
NS = 16
NW = NC * NS
RPW = (B * S) // NW
WPB = S // RPW
C = 32
NCHUNK = RPW // C
NBUF = 3

_mesh = plsc.VectorSubcoreMesh(core_axis_name="c", subcore_axis_name="s")


@functools.partial(
    pl.kernel,
    mesh=_mesh,
    out_type=jax.ShapeDtypeStruct((B, S, D), jnp.float32),
    scratch_types=[
        pltpu.VMEM((RPW,), jnp.int32),
        pltpu.VMEM((NBUF * C, D), jnp.float32),
        pltpu.SemaphoreType.DMA,
        pltpu.SemaphoreType.DMA,
    ],
)
def _gather_rows(data_hbm, perm_hbm, out_hbm, idx_v, rows_v, gsem, ssem):
    wid = lax.axis_index("c") * NS + lax.axis_index("s")
    bi = wid // WPB
    lo = (wid % WPB) * RPW

    data_b = data_hbm.at[bi]
    out_b = out_hbm.at[bi]

    pltpu.sync_copy(perm_hbm.at[bi, pl.ds(lo, RPW)], idx_v)

    def _buf(b):
        return rows_v.at[pl.ds(b * C, C)]

    def _gdesc(c, b):
        return pltpu.make_async_copy(data_b.at[idx_v.at[pl.ds(c * C, C)]],
                                     _buf(b), gsem)

    def _sdesc(c, b):
        return pltpu.make_async_copy(_buf(b),
                                     out_b.at[pl.ds(lo + c * C, C)], ssem)

    def _step(c, carry):
        b = lax.rem(c, NBUF)

        @pl.when(c >= NBUF)
        def _wait_scatter():
            _sdesc(c - NBUF, b).wait()

        _gdesc(c, b).start()

        @pl.when(c >= 1)
        def _drain_prev():
            pb = lax.rem(c - 1, NBUF)
            _gdesc(c - 1, pb).wait()
            _sdesc(c - 1, pb).start()

        return carry

    lax.fori_loop(0, NCHUNK, _step, 0)

    last = NCHUNK - 1
    lb = last % NBUF
    _gdesc(last, lb).wait()
    _sdesc(last, lb).start()

    def _drain(i, carry):
        c = NCHUNK - NBUF + i
        _sdesc(c, lax.rem(c, NBUF)).wait()
        return carry

    lax.fori_loop(0, NBUF, _drain, 0)


def kernel(data, perm):
    return _gather_rows(data, perm)

# --- scband reference (transcript-rebuilt; emitter-appended) ---
"""Pipeline reference for scband-permutation-from-dict-14508399525998 (READ-ONLY COPY).

The authoritative reference and input builder live on the scoring server;
editing this copy changes nothing except your own understanding.
"""

import jax, jax.numpy as jnp
import numpy as np


def setup_inputs(seed: int = 0) -> dict:
    key = jax.random.key(seed)
    k1, k2 = jax.random.split(key)
    data = jax.random.normal(k1, (4, 8192, 1024), dtype=jnp.float32)
    # perm values must be valid row indices into the seq dimension (< 8192)
    perm = jax.random.randint(k2, (4, 8192), 0, 8192, dtype=jnp.int32)
    return {"data": data, "perm": perm}


def reference(data, perm):
    # torch.gather(data, dim=1, index=perm.unsqueeze(-1).expand(-1,-1,D))
    # == take_along_axis along axis 1 with indices broadcast over last dim
    idx = perm[:, :, None]
    permuted_data = jnp.take_along_axis(data, idx, axis=1)
    return permuted_data

if __name__ == "__main__":
    import jax
    _d = setup_inputs()
    print(jax.jit(kernel)(*tuple(_d.values())))

</pallas_src>

<mosaic_0001>
#map = affine_map<(d0, d1) -> (0, 0, 0)>
#map1 = affine_map<(d0, d1) -> (0, 0)>
module attributes {stable_mosaic.version = 14 : i64} {
  func.func @_gather_rows(%arg0: i32, %arg1: i32, %arg2: memref<4x8192x1024xf32, #tpu.memory_space<hbm>>, %arg3: memref<4x8192xi32, #tpu.memory_space<hbm>>, %arg4: memref<4x8192x1024xf32, #tpu.memory_space<hbm>>, %arg5: memref<1024xi32, #tpu.memory_space<vmem>>, %arg6: memref<96x1024xf32, #tpu.memory_space<vmem>>, %arg7: memref<!tpu.dma_semaphore, #tpu.memory_space<semaphore_mem>>, %arg8: memref<!tpu.dma_semaphore, #tpu.memory_space<semaphore_mem>>) attributes {dimension_semantics = [#tpu.dimension_semantics<core_parallel>, #tpu.dimension_semantics<subcore_parallel>], iteration_bounds = array<i64: 2, 16>, scalar_prefetch = 0 : i64, scratch_operands = 4 : i64, tpu.core_type = #tpu.core_type<sc_vector_subcore>, window_params = [{transform_indices = #map}, {transform_indices = #map1}, {transform_indices = #map}]} {
    %mul3A = arith.constant 16 : i32
    %mul3A_0 = arith.muli %arg0, %mul3A : i32
    %add3A = arith.addi %mul3A_0, %arg1 : i32
    %jit3A = arith.constant 8 : i32
    %div3A = arith.divsi %add3A, %jit3A : i32
    %sign3A = arith.constant 0 : i32
    %sign3A_1 = arith.cmpi sgt, %add3A, %sign3A : i32
    %sign3A_2 = arith.extui %sign3A_1 : i1 to i32
    %sign3A_3 = arith.constant 0 : i32
    %sign3A_4 = arith.cmpi slt, %add3A, %sign3A_3 : i32
    %sign3A_5 = arith.extui %sign3A_4 : i1 to i32
    %sign3A_6 = arith.subi %sign3A_2, %sign3A_5 : i32
    %sign3A_7 = arith.constant 0 : i32
    %sign3A_8 = arith.cmpi sgt, %jit3A, %sign3A_7 : i32
    %sign3A_9 = arith.extui %sign3A_8 : i1 to i32
    %sign3A_10 = arith.constant 0 : i32
    %sign3A_11 = arith.cmpi slt, %jit3A, %sign3A_10 : i32
    %sign3A_12 = arith.extui %sign3A_11 : i1 to i32
    %sign3A_13 = arith.subi %sign3A_9, %sign3A_12 : i32
    %ne3A = arith.cmpi ne, %sign3A_6, %sign3A_13 : i32
    %rem3A = arith.remsi %add3A, %jit3A : i32
    %ne3A_14 = arith.constant 0 : i32
    %ne3A_15 = arith.cmpi ne, %rem3A, %ne3A_14 : i32
    %and3A = arith.andi %ne3A, %ne3A_15 : i1
    %sub3A = arith.constant 1 : i32
    %sub3A_16 = arith.subi %div3A, %sub3A : i32
    %select_n3A = arith.select %and3A, %sub3A_16, %div3A : i32
    %jit3A_17 = arith.constant 8 : i32
    %eq3A = arith.constant 0 : i32
    %eq3A_18 = arith.cmpi eq, %jit3A_17, %eq3A : i32
    %jit3A_19 = arith.constant 1 : i32
    %select_n3A_20 = arith.select %eq3A_18, %jit3A_19, %jit3A_17 : i32
    %rem3A_21 = arith.remsi %add3A, %select_n3A_20 : i32
    %ne3A_22 = arith.constant 0 : i32
    %ne3A_23 = arith.cmpi ne, %rem3A_21, %ne3A_22 : i32
    %lt3A = arith.constant 0 : i32
    %lt3A_24 = arith.cmpi slt, %rem3A_21, %lt3A : i32
    %lt3A_25 = arith.constant 0 : i32
    %lt3A_26 = arith.cmpi slt, %select_n3A_20, %lt3A_25 : i32
    %ne3A_27 = arith.xori %lt3A_24, %lt3A_26 : i1
    %and3A_28 = arith.andi %ne3A_27, %ne3A_23 : i1
    %add3A_29 = arith.addi %rem3A_21, %select_n3A_20 : i32
    %select_n3A_30 = arith.select %and3A_28, %add3A_29, %rem3A_21 : i32
    %mul3A_31 = arith.constant 1024 : i32
    %mul3A_32 = arith.muli %select_n3A_30, %mul3A_31 : i32
    "tpu.region"() ({
      %run_scoped3A = tpu.sem_alloc : memref<!tpu.dma_semaphore, #tpu.memory_space<semaphore_mem>>
      %dma_start3A_74 = tpu.memref_slice %arg3[%select_n3A, %mul3A_32] : memref<4x8192xi32, #tpu.memory_space<hbm>> -> memref<1x1024xi32, #tpu.memory_space<hbm>>
      %dma_start3A_75 = tpu.memref_squeeze %dma_start3A_74 : memref<1x1024xi32, #tpu.memory_space<hbm>> -> memref<1024xi32, #tpu.memory_space<hbm>>
      %dma_start3A_76 = tpu.memref_slice %arg3[%select_n3A, %mul3A_32] : memref<4x8192xi32, #tpu.memory_space<hbm>> -> memref<1x1024xi32, #tpu.memory_space<hbm>>
      %dma_start3A_77 = tpu.memref_squeeze %dma_start3A_76 : memref<1x1024xi32, #tpu.memory_space<hbm>> -> memref<1024xi32, #tpu.memory_space<hbm>>
      tpu.enqueue_dma source(%dma_start3A_77 : memref<1024xi32, #tpu.memory_space<hbm>>) target(%arg5 : memref<1024xi32, #tpu.memory_space<vmem>>) target_semaphore(%run_scoped3A : memref<!tpu.dma_semaphore, #tpu.memory_space<semaphore_mem>>)
      %dma_wait3A_78 = tpu.memref_slice %arg3[%select_n3A, %mul3A_32] : memref<4x8192xi32, #tpu.memory_space<hbm>> -> memref<1x1024xi32, #tpu.memory_space<hbm>>
      %dma_wait3A_79 = tpu.memref_squeeze %dma_wait3A_78 : memref<1x1024xi32, #tpu.memory_space<hbm>> -> memref<1024xi32, #tpu.memory_space<hbm>>
      %dma_wait3A_80 = tpu.memref_slice %arg3[%select_n3A, %mul3A_32] : memref<4x8192xi32, #tpu.memory_space<hbm>> -> memref<1x1024xi32, #tpu.memory_space<hbm>>
      %dma_wait3A_81 = tpu.memref_squeeze %dma_wait3A_80 : memref<1x1024xi32, #tpu.memory_space<hbm>> -> memref<1024xi32, #tpu.memory_space<hbm>>
      tpu.wait_dma2 semaphore(%run_scoped3A : memref<!tpu.dma_semaphore, #tpu.memory_space<semaphore_mem>>) src(%dma_wait3A_81 : memref<1024xi32, #tpu.memory_space<hbm>>) dst(%arg5 : memref<1024xi32, #tpu.memory_space<vmem>>)
      tpu.yield
    }) : () -> ()
    %scan3A = arith.constant 0 : i32
    %scan3A_33 = arith.constant 0 : i32
    %scan3A_34 = arith.constant 32 : i32
    %scan3A_35 = arith.addi %scan3A_33, %scan3A_34 : i32
    %scan3A_36 = arith.constant 1 : i32
    scf.for %scan3A_74 = %scan3A_33 to %scan3A_35 step %scan3A_36  : i32 {
      %rem3A_75 = arith.constant 3 : i32
      %rem3A_76 = arith.remsi %scan3A_74, %rem3A_75 : i32
      %ge3A = arith.constant 3 : i32
      %ge3A_77 = arith.cmpi sge, %scan3A_74, %ge3A : i32
      %convert_element_type3A = arith.extui %ge3A_77 : i1 to i32
      %cond3A = arith.constant 0 : i32
      %cond3A_78 = arith.cmpi ne, %convert_element_type3A, %cond3A : i32
      scf.if %cond3A_78 {
        %sub3A_98 = arith.constant 3 : i32
        %sub3A_99 = arith.subi %scan3A_74, %sub3A_98 : i32
        %mul3A_100 = arith.constant 32 : i32
        %mul3A_101 = arith.muli %rem3A_76, %mul3A_100 : i32
        %mul3A_102 = arith.constant 32 : i32
        %mul3A_103 = arith.muli %sub3A_99, %mul3A_102 : i32
        %add3A_104 = arith.addi %mul3A_32, %mul3A_103 : i32
        %dma_wait3A_105 = arith.constant 0 : i32
        %dma_wait3A_106 = tpu.memref_slice %arg6[%mul3A_101, %dma_wait3A_105] : memref<96x1024xf32, #tpu.memory_space<vmem>> -> memref<32x1024xf32, #tpu.memory_space<vmem>>
        %dma_wait3A_107 = arith.constant 0 : i32
        %dma_wait3A_108 = arith.constant 0 : i32
        %dma_wait3A_109 = tpu.memref_slice %arg4[%select_n3A, %dma_wait3A_107, %dma_wait3A_108] : memref<4x8192x1024xf32, #tpu.memory_space<hbm>> -> memref<1x8192x1024xf32, #tpu.memory_space<hbm>>
        %dma_wait3A_110 = tpu.memref_squeeze %dma_wait3A_109 : memref<1x8192x1024xf32, #tpu.memory_space<hbm>> -> memref<8192x1024xf32, #tpu.memory_space<hbm>>
        %dma_wait3A_111 = arith.constant 0 : i32
        %dma_wait3A_112 = tpu.memref_slice %dma_wait3A_110[%add3A_104, %dma_wait3A_111] : memref<8192x1024xf32, #tpu.memory_space<hbm>> -> memref<32x1024xf32, #tpu.memory_space<hbm>>
        %dma_wait3A_113 = arith.constant 0 : i32
        %dma_wait3A_114 = arith.constant 0 : i32
        %dma_wait3A_115 = tpu.memref_slice %arg4[%select_n3A, %dma_wait3A_113, %dma_wait3A_114] : memref<4x8192x1024xf32, #tpu.memory_space<hbm>> -> memref<1x8192x1024xf32, #tpu.memory_space<hbm>>
        %dma_wait3A_116 = tpu.memref_squeeze %dma_wait3A_115 : memref<1x8192x1024xf32, #tpu.memory_space<hbm>> -> memref<8192x1024xf32, #tpu.memory_space<hbm>>
        %dma_wait3A_117 = arith.constant 0 : i32
        %dma_wait3A_118 = tpu.memref_slice %dma_wait3A_116[%add3A_104, %dma_wait3A_117] : memref<8192x1024xf32, #tpu.memory_space<hbm>> -> memref<32x1024xf32, #tpu.memory_space<hbm>>
        %dma_wait3A_119 = arith.constant 0 : i32
        %dma_wait3A_120 = tpu.memref_slice %arg6[%mul3A_101, %dma_wait3A_119] : memref<96x1024xf32, #tpu.memory_space<vmem>> -> memref<32x1024xf32, #tpu.memory_space<vmem>>
        tpu.wait_dma2 semaphore(%arg8 : memref<!tpu.dma_semaphore, #tpu.memory_space<semaphore_mem>>) src(%dma_wait3A_120 : memref<32x1024xf32, #tpu.memory_space<vmem>>) dst(%dma_wait3A_118 : memref<32x1024xf32, #tpu.memory_space<hbm>>)
      } else {
      }
      %mul3A_79 = arith.constant 32 : i32
      %mul3A_80 = arith.muli %scan3A_74, %mul3A_79 : i32
      %mul3A_81 = arith.constant 32 : i32
      %mul3A_82 = arith.muli %rem3A_76, %mul3A_81 : i32
      %dma_start3A_83 = arith.constant 0 : i32
      %dma_start3A_84 = tpu.memref_slice %arg6[%mul3A_82, %dma_start3A_83] : memref<96x1024xf32, #tpu.memory_space<vmem>> -> memref<32x1024xf32, #tpu.memory_space<vmem>>
      %dma_start3A_85 = tpu.memref_slice %arg5[%mul3A_80] : memref<1024xi32, #tpu.memory_space<vmem>> -> memref<32xi32, #tpu.memory_space<vmem>>
      %dma_start3A_86 = arith.constant 0 : i32
      %dma_start3A_87 = arith.constant 0 : i32
      %dma_start3A_88 = tpu.memref_slice %arg2[%select_n3A, %dma_start3A_86, %dma_start3A_87] : memref<4x8192x1024xf32, #tpu.memory_space<hbm>> -> memref<1x8192x1024xf32, #tpu.memory_space<hbm>>
      %dma_start3A_89 = tpu.memref_squeeze %dma_start3A_88 : memref<1x8192x1024xf32, #tpu.memory_space<hbm>> -> memref<8192x1024xf32, #tpu.memory_space<hbm>>
      %dma_start3A_90 = arith.constant 0 : i32
      %dma_start3A_91 = arith.constant 0 : i32
      %dma_start3A_92 = tpu.memref_slice %dma_start3A_89[%dma_start3A_90, %dma_start3A_91] : memref<8192x1024xf32, #tpu.memory_space<hbm>> -> memref<8192x1024xf32, #tpu.memory_space<hbm>>
      tpu.enqueue_indirect_dma source(%dma_start3A_92 : memref<8192x1024xf32, #tpu.memory_space<hbm>>) target(%dma_start3A_84 : memref<32x1024xf32, #tpu.memory_space<vmem>>) offsets(%dma_start3A_85 : memref<32xi32, #tpu.memory_space<vmem>>) semaphore(%arg7 : memref<!tpu.dma_semaphore, #tpu.memory_space<semaphore_mem>>)
      %ge3A_93 = arith.constant 1 : i32
      %ge3A_94 = arith.cmpi sge, %scan3A_74, %ge3A_93 : i32
      %convert_element_type3A_95 = arith.extui %ge3A_94 : i1 to i32
      %cond3A_96 = arith.constant 0 : i32
      %cond3A_97 = arith.cmpi ne, %convert_element_type3A_95, %cond3A_96 : i32
      scf.if %cond3A_97 {
        %sub3A_98 = arith.constant 1 : i32
        %sub3A_99 = arith.subi %scan3A_74, %sub3A_98 : i32
        %rem3A_100 = arith.constant 3 : i32
        %rem3A_101 = arith.remsi %sub3A_99, %rem3A_100 : i32
        %sub3A_102 = arith.constant 1 : i32
        %sub3A_103 = arith.subi %scan3A_74, %sub3A_102 : i32
        %mul3A_104 = arith.constant 32 : i32
        %mul3A_105 = arith.muli %sub3A_103, %mul3A_104 : i32
        %mul3A_106 = arith.constant 32 : i32
        %mul3A_107 = arith.muli %rem3A_101, %mul3A_106 : i32
        %dma_wait3A_108 = arith.constant 0 : i32
        %dma_wait3A_109 = tpu.memref_slice %arg6[%mul3A_107, %dma_wait3A_108] : memref<96x1024xf32, #tpu.memory_space<vmem>> -> memref<32x1024xf32, #tpu.memory_space<vmem>>
        %dma_wait3A_110 = tpu.memref_slice %arg5[%mul3A_105] : memref<1024xi32, #tpu.memory_space<vmem>> -> memref<32xi32, #tpu.memory_space<vmem>>
        %dma_wait3A_111 = arith.constant 0 : i32
        %dma_wait3A_112 = arith.constant 0 : i32
        %dma_wait3A_113 = tpu.memref_slice %arg2[%select_n3A, %dma_wait3A_111, %dma_wait3A_112] : memref<4x8192x1024xf32, #tpu.memory_space<hbm>> -> memref<1x8192x1024xf32, #tpu.memory_space<hbm>>
        %dma_wait3A_114 = tpu.memref_squeeze %dma_wait3A_113 : memref<1x8192x1024xf32, #tpu.memory_space<hbm>> -> memref<8192x1024xf32, #tpu.memory_space<hbm>>
        %dma_wait3A_115 = arith.constant 0 : i32
        %dma_wait3A_116 = arith.constant 0 : i32
        %dma_wait3A_117 = tpu.memref_slice %dma_wait3A_114[%dma_wait3A_115, %dma_wait3A_116] : memref<8192x1024xf32, #tpu.memory_space<hbm>> -> memref<8192x1024xf32, #tpu.memory_space<hbm>>
        tpu.wait_indirect_dma semaphore(%arg7 : memref<!tpu.dma_semaphore, #tpu.memory_space<semaphore_mem>>) src(%dma_wait3A_117 : memref<8192x1024xf32, #tpu.memory_space<hbm>>) dst(%dma_wait3A_109 : memref<32x1024xf32, #tpu.memory_space<vmem>>)
        %sub3A_118 = arith.constant 1 : i32
        %sub3A_119 = arith.subi %scan3A_74, %sub3A_118 : i32
        %mul3A_120 = arith.constant 32 : i32
        %mul3A_121 = arith.muli %rem3A_101, %mul3A_120 : i32
        %mul3A_122 = arith.constant 32 : i32
        %mul3A_123 = arith.muli %sub3A_119, %mul3A_122 : i32
        %add3A_124 = arith.addi %mul3A_32, %mul3A_123 : i32
        %dma_start3A_125 = arith.constant 0 : i32
        %dma_start3A_126 = tpu.memref_slice %arg6[%mul3A_121, %dma_start3A_125] : memref<96x1024xf32, #tpu.memory_space<vmem>> -> memref<32x1024xf32, #tpu.memory_space<vmem>>
        %dma_start3A_127 = arith.constant 0 : i32
        %dma_start3A_128 = arith.constant 0 : i32
        %dma_start3A_129 = tpu.memref_slice %arg4[%select_n3A, %dma_start3A_127, %dma_start3A_128] : memref<4x8192x1024xf32, #tpu.memory_space<hbm>> -> memref<1x8192x1024xf32, #tpu.memory_space<hbm>>
        %dma_start3A_130 = tpu.memref_squeeze %dma_start3A_129 : memref<1x8192x1024xf32, #tpu.memory_space<hbm>> -> memref<8192x1024xf32, #tpu.memory_space<hbm>>
        %dma_start3A_131 = arith.constant 0 : i32
        %dma_start3A_132 = tpu.memref_slice %dma_start3A_130[%add3A_124, %dma_start3A_131] : memref<8192x1024xf32, #tpu.memory_space<hbm>> -> memref<32x1024xf32, #tpu.memory_space<hbm>>
        %dma_start3A_133 = arith.constant 0 : i32
        %dma_start3A_134 = arith.constant 0 : i32
        %dma_start3A_135 = tpu.memref_slice %arg4[%select_n3A, %dma_start3A_133, %dma_start3A_134] : memref<4x8192x1024xf32, #tpu.memory_space<hbm>> -> memref<1x8192x1024xf32, #tpu.memory_space<hbm>>
        %dma_start3A_136 = tpu.memref_squeeze %dma_start3A_135 : memref<1x8192x1024xf32, #tpu.memory_space<hbm>> -> memref<8192x1024xf32, #tpu.memory_space<hbm>>
        %dma_start3A_137 = arith.constant 0 : i32
        %dma_start3A_138 = tpu.memref_slice %dma_start3A_136[%add3A_124, %dma_start3A_137] : memref<8192x1024xf32, #tpu.memory_space<hbm>> -> memref<32x1024xf32, #tpu.memory_space<hbm>>
        %dma_start3A_139 = arith.constant 0 : i32
        %dma_start3A_140 = tpu.memref_slice %arg6[%mul3A_121, %dma_start3A_139] : memref<96x1024xf32, #tpu.memory_space<vmem>> -> memref<32x1024xf32, #tpu.memory_space<vmem>>
        tpu.enqueue_dma source(%dma_start3A_140 : memref<32x1024xf32, #tpu.memory_space<vmem>>) target(%dma_start3A_138 : memref<32x1024xf32, #tpu.memory_space<hbm>>) target_semaphore(%arg8 : memref<!tpu.dma_semaphore, #tpu.memory_space<semaphore_mem>>)
      } else {
      }
    }
    %scan3A_37 = arith.constant 32 : i32
    %dma_wait3A = arith.constant 32 : i32
    %dma_wait3A_38 = arith.constant 0 : i32
    %dma_wait3A_39 = tpu.memref_slice %arg6[%dma_wait3A, %dma_wait3A_38] : memref<96x1024xf32, #tpu.memory_space<vmem>> -> memref<32x1024xf32, #tpu.memory_space<vmem>>
    %dma_wait3A_40 = arith.constant 992 : i32
    %dma_wait3A_41 = tpu.memref_slice %arg5[%dma_wait3A_40] : memref<1024xi32, #tpu.memory_space<vmem>> -> memref<32xi32, #tpu.memory_space<vmem>>
    %dma_wait3A_42 = arith.constant 0 : i32
    %dma_wait3A_43 = arith.constant 0 : i32
    %dma_wait3A_44 = tpu.memref_slice %arg2[%select_n3A, %dma_wait3A_42, %dma_wait3A_43] : memref<4x8192x1024xf32, #tpu.memory_space<hbm>> -> memref<1x8192x1024xf32, #tpu.memory_space<hbm>>
    %dma_wait3A_45 = tpu.memref_squeeze %dma_wait3A_44 : memref<1x8192x1024xf32, #tpu.memory_space<hbm>> -> memref<8192x1024xf32, #tpu.memory_space<hbm>>
    %dma_wait3A_46 = arith.constant 0 : i32
    %dma_wait3A_47 = arith.constant 0 : i32
    %dma_wait3A_48 = tpu.memref_slice %dma_wait3A_45[%dma_wait3A_46, %dma_wait3A_47] : memref<8192x1024xf32, #tpu.memory_space<hbm>> -> memref<8192x1024xf32, #tpu.memory_space<hbm>>
    tpu.wait_indirect_dma semaphore(%arg7 : memref<!tpu.dma_semaphore, #tpu.memory_space<semaphore_mem>>) src(%dma_wait3A_48 : memref<8192x1024xf32, #tpu.memory_space<hbm>>) dst(%dma_wait3A_39 : memref<32x1024xf32, #tpu.memory_space<vmem>>)
    %add3A_49 = arith.constant 992 : i32
    %add3A_50 = arith.addi %mul3A_32, %add3A_49 : i32
    %dma_start3A = arith.constant 32 : i32
    %dma_start3A_51 = arith.constant 0 : i32
    %dma_start3A_52 = tpu.memref_slice %arg6[%dma_start3A, %dma_start3A_51] : memref<96x1024xf32, #tpu.memory_space<vmem>> -> memref<32x1024xf32, #tpu.memory_space<vmem>>
    %dma_start3A_53 = arith.constant 0 : i32
    %dma_start3A_54 = arith.constant 0 : i32
    %dma_start3A_55 = tpu.memref_slice %arg4[%select_n3A, %dma_start3A_53, %dma_start3A_54] : memref<4x8192x1024xf32, #tpu.memory_space<hbm>> -> memref<1x8192x1024xf32, #tpu.memory_space<hbm>>
    %dma_start3A_56 = tpu.memref_squeeze %dma_start3A_55 : memref<1x8192x1024xf32, #tpu.memory_space<hbm>> -> memref<8192x1024xf32, #tpu.memory_space<hbm>>
    %dma_start3A_57 = arith.constant 0 : i32
    %dma_start3A_58 = tpu.memref_slice %dma_start3A_56[%add3A_50, %dma_start3A_57] : memref<8192x1024xf32, #tpu.memory_space<hbm>> -> memref<32x1024xf32, #tpu.memory_space<hbm>>
    %dma_start3A_59 = arith.constant 0 : i32
    %dma_start3A_60 = arith.constant 0 : i32
    %dma_start3A_61 = tpu.memref_slice %arg4[%select_n3A, %dma_start3A_59, %dma_start3A_60] : memref<4x8192x1024xf32, #tpu.memory_space<hbm>> -> memref<1x8192x1024xf32, #tpu.memory_space<hbm>>
    %dma_start3A_62 = tpu.memref_squeeze %dma_start3A_61 : memref<1x8192x1024xf32, #tpu.memory_space<hbm>> -> memref<8192x1024xf32, #tpu.memory_space<hbm>>
    %dma_start3A_63 = arith.constant 0 : i32
    %dma_start3A_64 = tpu.memref_slice %dma_start3A_62[%add3A_50, %dma_start3A_63] : memref<8192x1024xf32, #tpu.memory_space<hbm>> -> memref<32x1024xf32, #tpu.memory_space<hbm>>
    %dma_start3A_65 = arith.constant 32 : i32
    %dma_start3A_66 = arith.constant 0 : i32
    %dma_start3A_67 = tpu.memref_slice %arg6[%dma_start3A_65, %dma_start3A_66] : memref<96x1024xf32, #tpu.memory_space<vmem>> -> memref<32x1024xf32, #tpu.memory_space<vmem>>
    tpu.enqueue_dma source(%dma_start3A_67 : memref<32x1024xf32, #tpu.memory_space<vmem>>) target(%dma_start3A_64 : memref<32x1024xf32, #tpu.memory_space<hbm>>) target_semaphore(%arg8 : memref<!tpu.dma_semaphore, #tpu.memory_space<semaphore_mem>>)
    %scan3A_68 = arith.constant 0 : i32
    %scan3A_69 = arith.constant 0 : i32
    %scan3A_70 = arith.constant 3 : i32
    %scan3A_71 = arith.addi %scan3A_69, %scan3A_70 : i32
    %scan3A_72 = arith.constant 1 : i32
    scf.for %scan3A_74 = %scan3A_69 to %scan3A_71 step %scan3A_72  : i32 {
      %add3A_75 = arith.constant 29 : i32
      %add3A_76 = arith.addi %add3A_75, %scan3A_74 : i32
      %rem3A_77 = arith.constant 3 : i32
      %rem3A_78 = arith.remsi %add3A_76, %rem3A_77 : i32
      %mul3A_79 = arith.constant 32 : i32
      %mul3A_80 = arith.muli %rem3A_78, %mul3A_79 : i32
      %mul3A_81 = arith.constant 32 : i32
      %mul3A_82 = arith.muli %add3A_76, %mul3A_81 : i32
      %add3A_83 = arith.addi %mul3A_32, %mul3A_82 : i32
      %dma_wait3A_84 = arith.constant 0 : i32
      %dma_wait3A_85 = tpu.memref_slice %arg6[%mul3A_80, %dma_wait3A_84] : memref<96x1024xf32, #tpu.memory_space<vmem>> -> memref<32x1024xf32, #tpu.memory_space<vmem>>
      %dma_wait3A_86 = arith.constant 0 : i32
      %dma_wait3A_87 = arith.constant 0 : i32
      %dma_wait3A_88 = tpu.memref_slice %arg4[%select_n3A, %dma_wait3A_86, %dma_wait3A_87] : memref<4x8192x1024xf32, #tpu.memory_space<hbm>> -> memref<1x8192x1024xf32, #tpu.memory_space<hbm>>
      %dma_wait3A_89 = tpu.memref_squeeze %dma_wait3A_88 : memref<1x8192x1024xf32, #tpu.memory_space<hbm>> -> memref<8192x1024xf32, #tpu.memory_space<hbm>>
      %dma_wait3A_90 = arith.constant 0 : i32
      %dma_wait3A_91 = tpu.memref_slice %dma_wait3A_89[%add3A_83, %dma_wait3A_90] : memref<8192x1024xf32, #tpu.memory_space<hbm>> -> memref<32x1024xf32, #tpu.memory_space<hbm>>
      %dma_wait3A_92 = arith.constant 0 : i32
      %dma_wait3A_93 = arith.constant 0 : i32
      %dma_wait3A_94 = tpu.memref_slice %arg4[%select_n3A, %dma_wait3A_92, %dma_wait3A_93] : memref<4x8192x1024xf32, #tpu.memory_space<hbm>> -> memref<1x8192x1024xf32, #tpu.memory_space<hbm>>
      %dma_wait3A_95 = tpu.memref_squeeze %dma_wait3A_94 : memref<1x8192x1024xf32, #tpu.memory_space<hbm>> -> memref<8192x1024xf32, #tpu.memory_space<hbm>>
      %dma_wait3A_96 = arith.constant 0 : i32
      %dma_wait3A_97 = tpu.memref_slice %dma_wait3A_95[%add3A_83, %dma_wait3A_96] : memref<8192x1024xf32, #tpu.memory_space<hbm>> -> memref<32x1024xf32, #tpu.memory_space<hbm>>
      %dma_wait3A_98 = arith.constant 0 : i32
      %dma_wait3A_99 = tpu.memref_slice %arg6[%mul3A_80, %dma_wait3A_98] : memref<96x1024xf32, #tpu.memory_space<vmem>> -> memref<32x1024xf32, #tpu.memory_space<vmem>>
      tpu.wait_dma2 semaphore(%arg8 : memref<!tpu.dma_semaphore, #tpu.memory_space<semaphore_mem>>) src(%dma_wait3A_99 : memref<32x1024xf32, #tpu.memory_space<vmem>>) dst(%dma_wait3A_97 : memref<32x1024xf32, #tpu.memory_space<hbm>>)
    }
    %scan3A_73 = arith.constant 3 : i32
    return
  }
}

</mosaic_0001>

<sc_bundles>
// kernel: kernel.3.cloned.1.call-start
scs
__scs_entry_jumppad:
0x0: {  	(pc) =	sbr.rel $0x88, $3  }
0x1: {  	(tag) =	ssettag $0x0;
	lr =	simm.s32 $0x1  }
0x2: {  	[smem:$0x3F9F] =	sst lr;
	_ =	strace $0xD0000000  }
0x3: {  	_ = 	snop  }
0x4: {  	_ = 	snop  }
0x5: {  	_ = 	snop  }
0x6: {  	_ = 	snop  }
0x7: {  	_ = 	snop  }
__scs_overlays_trampoline_lowered:
0x8: {  	[smem:$0x3FAE] =	sst s0  }
0x9: {  	[smem:$0x3FAF] =	sst s1  }
0xa: {  	[smem:$0x3FB0] =	sst s2  }
0xb: {  	[smem:$0x3FB1] =	sst s3  }
0xc: {  	[smem:$0x3FB2] =	sst s4  }
0xd: {  	[smem:$0x3FB3] =	sst s5  }
0xe: {  	[smem:$0x3FB4] =	sst s6  }
0xf: {  	[smem:$0x3FB5] =	sst s7  }
0x10: {  	[smem:$0x3FB6] =	sst s8  }
0x11: {  	[smem:$0x3FB7] =	sst s9;
	s0 =	simm.s32 @!p0 $0x0  }
0x12: {  	s1 =	sld [smem:$0x3F9D];
	s0 =	simm.s32 @p0 $0x1  }
0x13: {  	[smem:$0x3FB8] =	sst s0;
	s0 =	simm.s32 @!p1 $0x0  }
0x14: {  	s2 =	sld [smem:$0x3F9C];
	s0 =	simm.s32 @p1 $0x1  }
0x15: {  	[smem:$0x3FB9] =	sst s0;
	s0 =	simm.s32 @!p2 $0x0  }
0x16: {  	s3 =	sld [smem:$0x3FDB];
	s0 =	simm.s32 @p2 $0x1  }
0x17: {  	s4 =	simm.s32 $0x1BF5;
	[smem:$0x3FBB] =	sst s0  }
0x18: {  	s0 =	sld [smem:$0x3F9E];
	_ =	swait.ge [sflag:s4], $0x0  }
0x19: {  	s7 =	sld [smem:$0x3F9F]  }
0x1a: {  	s8 =	sadd.s32 $0xFFFFE003, lr  }
0x1b: {  	s9 =	sadd.s32 $0xFFFFFEF7, lr;
	s5 =	simm.s32 $0xFFFFFFFF;
	p2 =	slt.u32 s8, $0xFFFFF086  }
0x1c: {  	p1 =	slt.u32 s9, $0xF7A;
	s5 =	simm.s32 @!p2 $0x0  }
0x1d: {  	s5 =	simm.s32 @p1 $0x1;
	p0 =	seq.s32 s7, s2  }
0x1e: {  	s7 =	smul.u32 @!p0 $0xF7A, s2;
	p2 =	seq.s32 @!p0 s5, $0x0  }
0x1f: {  	s9 =	smul.u32 $0xF7A, s1;
	s8 =	simm.s32 @!p0 $0x1BF5;
	p2 =	por !p2, p0  }
0x20: {  	[sflag:s8] =	ssyncset.s32 @!p0 $0xFFFFF086;
	s6 =	sadd.s32 @!p0 s3, s7;
	s7 =	simm.s32 @!p0 $0x108  }
0x21: {  	s3 =	sadd.s32 s3, s9;
	s6 =	sadd.s32 @!p0 $0x88, s6;
	s7 =	simm.s32 @p2 $0x1082  }
0x22: {  	[simem:s7], [sflag:s8] =	dma.local @!p0 [hbm:s6], $0xF7A  }
0x23: {  	s9 =	sor.u32 $0xD0000000, s2;
	s6 =	simm.s32 $0x108;
	_ =	swait.ge @!p0 [sflag:s8], $0x0  }
0x24: {  	s3 =	sadd.s32 $0x88, s3;
	s6 =	simm.s32 @!p1 $0x1082;
	[sflag:s4] =	ssyncset.s32 $0xFFFFF086  }
0x25: {  	[simem:s6], [sflag:s4] =	dma.local [hbm:s3], $0xF7A  }
0x26: {  	[smem:$0x3F9F] =	sst s1;
	(tag) =	ssettag s2;
	_ =	strace s9  }
0x27: {  	s1 =	sld [smem:$0x3FAF]  }
0x28: {  	s2 =	sld [smem:$0x3FB0]  }
0x29: {  	s4 =	sld [smem:$0x3FB2]  }
0x2a: {  	p0 =	seq.s32 s5, $0x0;
	s5 =	sld [smem:$0x3FB3]  }
0x2b: {  	s6 =	sld [smem:$0x3FB4]  }
0x2c: {  	s7 =	sld [smem:$0x3FB5]  }
0x2d: {  	s3 =	simm.s32 $0x108;
	s8 =	sld [smem:$0x3FB6]  }
0x2e: {  	s3 =	simm.s32 @!p0 $0x1082;
	s9 =	sld [smem:$0x3FB7]  }
0x2f: {  	lr =	sadd.s32 s0, s3;
	s0 =	sld [smem:$0x3FAE]  }
0x30: {  	s3 =	sld [smem:$0x3FB1]  }
0x31: {  	[smem:$0x3FBA] =	sst s10  }
0x32: {  	s10 =	sld [smem:$0x3FB8];
	_ =	sdelay $0x3  }
0x33: {  	p0 =	seq.s32 s10, $0x1;
	s10 =	sld [smem:$0x3FBA];
	_ =	sdelay $0x3  }
0x34: {  	[smem:$0x3FBA] =	sst s10  }
0x35: {  	s10 =	sld [smem:$0x3FB9];
	_ =	sdelay $0x3  }
0x36: {  	p1 =	seq.s32 s10, $0x1;
	s10 =	sld [smem:$0x3FBA];
	_ =	sdelay $0x3  }
0x37: {  	[smem:$0x3FBA] =	sst s10  }
0x38: {  	s10 =	sld [smem:$0x3FBB]  }
0x39: {  	_ = 	snop;
	(pc) =	sbr.ind lr, $3  }
0x3a: {  	_ = 	snop  }
0x3b: {  	_ = 	snop  }
0x3c: {  	p2 =	seq.s32 s10, $0x1;
	s10 =	sld [smem:$0x3FBA]  }
0x3d: {  	_ =	shalt  }
0x3e: {  	_ =	shalt  }
0x3f: {  	_ =	shalt  }
0x40: {  	_ =	shalt  }
0x41: {  	_ =	shalt  }
0x42: {  	_ =	shalt  }
0x43: {  	_ =	shalt  }
0x44: {  	_ =	shalt  }
0x45: {  	_ =	shalt  }
0x46: {  	_ =	shalt  }
0x47: {  	_ =	shalt  }
0x48: {  	_ =	shalt  }
0x49: {  	_ =	shalt  }
0x4a: {  	_ =	shalt  }
0x4b: {  	_ =	shalt  }
0x4c: {  	_ =	shalt  }
0x4d: {  	_ =	shalt  }
0x4e: {  	_ =	shalt  }
0x4f: {  	_ =	shalt  }
0x50: {  	_ =	shalt  }
0x51: {  	_ =	shalt  }
0x52: {  	_ =	shalt  }
0x53: {  	_ =	shalt  }
0x54: {  	_ =	shalt  }
0x55: {  	_ =	shalt  }
0x56: {  	_ =	shalt  }
0x57: {  	_ =	shalt  }
0x58: {  	_ =	shalt  }
0x59: {  	_ =	shalt  }
0x5a: {  	_ =	shalt  }
0x5b: {  	_ =	shalt  }
0x5c: {  	_ =	shalt  }
0x5d: {  	_ =	shalt  }
0x5e: {  	_ =	shalt  }
0x5f: {  	_ =	shalt  }
0x60: {  	_ =	shalt  }
0x61: {  	_ =	shalt  }
0x62: {  	_ =	shalt  }
0x63: {  	_ =	shalt  }
0x64: {  	_ =	shalt  }
0x65: {  	_ =	shalt  }
0x66: {  	_ =	shalt  }
0x67: {  	_ =	shalt  }
0x68: {  	_ =	shalt  }
0x69: {  	_ =	shalt  }
0x6a: {  	_ =	shalt  }
0x6b: {  	_ =	shalt  }
0x6c: {  	_ =	shalt  }
0x6d: {  	_ =	shalt  }
0x6e: {  	_ =	shalt  }
0x6f: {  	_ =	shalt  }
0x70: {  	_ =	shalt  }
0x71: {  	_ =	shalt  }
0x72: {  	_ =	shalt  }
0x73: {  	_ =	shalt  }
0x74: {  	_ =	shalt  }
0x75: {  	_ =	shalt  }
0x76: {  	_ =	shalt  }
0x77: {  	_ =	shalt  }
0x78: {  	_ =	shalt  }
0x79: {  	_ =	shalt  }
0x7a: {  	_ =	shalt  }
0x7b: {  	_ =	shalt  }
0x7c: {  	_ =	shalt  }
0x7d: {  	_ =	shalt  }
0x7e: {  	_ =	shalt  }
0x7f: {  	_ =	shalt  }
0x80: {  	_ =	shalt  }
0x81: {  	_ =	shalt  }
0x82: {  	_ =	shalt  }
0x83: {  	_ =	shalt  }
0x84: {  	_ =	shalt  }
0x85: {  	_ =	shalt  }
0x86: {  	_ =	shalt  }
0x87: {  	_ =	shalt  }
.Lfunc_end0:
.L_simem_size_0:
called_computation_lowered:
.L_overlay_start_0:
0x88: {  	s2 =	sld [smem:$0x3FD9]  }
0x89: {  	s3 =	sld [smem:$0x3FFE];
	_ =	sdelay $0x1  }
0x8a: {  	s1 =	srdreg.scid  }
0x8b: {  	s0 =	sand.u32 $0x1, s1  }
0x8c: {  	s18 =	sshll.u32 s0, $0xA;
	s2 =	sadd.s32 s3, s2  }
0x8d: {  	s2 =	sadd.s32 s2, s18  }
0x8e: {  	[smem:$0x3FC6] =	sst s2  }
0x8f: {  	_ = 	snop  }
0x90: {  	s2 =	sld [smem:$0x3FC9]  }
0x91: {  	s19 =	sld [smem:$0x3FC8]  }
0x92: {  	s4 =	sld [smem:$0x3FD0];
	(tm) =	ssettm $0x1  }
0x93: {  	s5 =	sld [smem:$0x3FFB];
	_ =	sdelay $0x3  }
0x94: {  	_ =	strace s5  }
0x95: {  	s5 =	sld [smem:$0x3FFC];
	_ =	sdelay $0x3  }
0x96: {  	_ =	strace s5  }
0x97: {  	s5 =	sld [smem:$0x3FFD];
	_ =	sdelay $0x3  }
0x98: {  	_ =	strace s5  }
0x99: {  	_ =	strace $0x8FFFFFFF  }
0x9a: {  	s20 =	sld [smem:$0x3FDB];
	_ =	sdelay $0x1  }
0x9b: {  	s6 =	simm.s32 $_scs_section_size  }
0x9c: {  	s7 =	simm.s32 $_size__tile_overlayer_lowered;
	s8 =	simm.s32 $_tile_overlayer_lowered  }
0x9d: {  	s23 =	simm.s32 $0x1BFF;
	s22 =	sshll.u32 s8, $0x1;
	s5 =	sadd.s32 s6, s20  }
0x9e: {  	s9 =	simm.s32 $0x0;
	s21 =	sshll.u32 s7, $0x1;
	s7 =	sadd.s32 s22, s5  }
0x9f: {  	[timem:s9], [sflag:s23] =	dma.local [hbm:s7], s21  }
0xa0: {  	_ =	swait.ge [sflag:s23], s21  }
0xa1: {  	s6 =	ssub.s32 $0x0, s21;
	[sflag:s23] =	ssyncset.done $0x0  }
0xa2: {  	[sflag:s23] =	ssyncadd.s32 s6;
	_ =	sdelay $0x1  }
0xa3: {  	s24 =	simm.s32 $0x1B8B  }
0xa4: {  	_ =	swait.ge [sflag:s24], $0x1  }
0xa5: {  	[sflag:s24] =	ssyncset.done $0x0  }
0xa6: {  	s25 =	simm.s32 $0x1B8E;
	[sflag:s24] =	ssyncadd.s32 $0xFFFFFFFF  }
0xa7: {  	s26 =	simm.s32 $execute0_lowered;
	[smem:$0x3FD2] =	sst s25  }
0xa8: {  	s6 =	sshll.u32 s26, $0x1;
	_ =	strace $0x80000046;
	[dreg:$0x1] =	wrdreg $0xFFFFFFFF  }
0xa9: {  	s28 =	simm.s32 $_size_execute0_lowered;
	s5 =	sadd.s32 s5, s6;
	[dreg:$0x0] =	wrdreg $0x0  }
0xaa: {  	s6 =	sshll.u32 s28, $0x1;
	[dreg:$0x2] =	wrdreg s5  }
0xab: {  	[dreg:$0x3] =	wrdreg s6  }
0xac: {  	[dreg:$0x4] =	wrdreg $0xC0  }
0xad: {  	_ =	task [dreg:s9], $0x5FFFF  }
0xae: {  	[dreg:$0x1] =	wrdreg $0xFFFFFFFF  }
0xaf: {  	[dreg:$0x0] =	wrdreg $0x60  }
0xb0: {  	[dreg:$0x2] =	wrdreg s2  }
0xb1: {  	[dreg:$0x3] =	wrdreg s19  }
0xb2: {  	[dreg:$0x4] =	wrdreg s4  }
0xb3: {  	[dreg:$0x5] =	wrdreg $0x9  }
0xb4: {  	_ =	task.clear_ibuf [dreg:s9], $0x6FFFF;
	_ =	strace $0x90000046  }
0xb5: {  	s29 =	simm.s32 $0x9;
	_ =	strace $0x80000048  }
0xb6: {  	_ =	swait.ge [sflag:s29], $0x1  }
0xb7: {  	[sflag:s29] =	ssyncadd.s32 $0xFFFFFFFF  }
0xb8: {  	_ =	strace $0x90000048  }
0xb9: {  	_ =	sfence  }
0xba: {  	s30 =	sld [smem:$0x0];
	_ =	sdelay $0x2  }
0xbb: {  	s31 =	sshll.u32 s1, $0xD;
	s1 =	sshrl.u32 s1, $0x2  }
0xbc: {  	s3 =	sand.u32 $0x4000, s31;
	s1 =	sadd.s32 s1, s30  }
0xbd: {  	s0 =	sor.u32 s3, s0;
	s1 =	sshll.u32 s1, $0x11  }
0xbe: {  	s0 =	sor.u32 s1, s0  }
0xbf: {  	s0 =	sadd.s32 $0x8F2B, s0  }
0xc0: {  	[sflag:s0] =	ssyncadd.remote.s32 $0x1  }
0xc1: {  	_ =	sfence.sel $0xFFFF  }
0xc2: {  	[dreg:$0x0] =	wrdreg $0xFFFFFFFF;
	(pc) =	sbr.abs _section_cstart, $3  }
0xc3: {  	[dreg:$0x1] =	wrdreg $0xFFFFFFFF  }
0xc4: {  	_ =	task.clear_ibuf [dreg:s9], $0x2FFFF;
	_ =	strace $0x9FFFFFFF  }
0xc5: {  	(tm) =	ssettm $0x7FFFFFFF  }
tec
execute0_lowered:
.L_overlay_start_1:
0x0: {  	(tag) =	ssettag $0x1  }
0x1: {  	s5 =	rddreg [dreg:$0x0]  }
0x2: {  	s7 =	rddreg [dreg:$0x1]  }
0x3: {  	s0 =	srdreg.scid;
	s8 =	rddreg [dreg:$0x2];
	s9 =	simm.s32 $0x1  }
0x4: {  	s2 =	simm.s32 $0x0;
	s16 =	simm.s32 $0x8400;
	s17 =	simm.s32 $0x2  }
0x5: {  	s18 =	simm.s32 $0x0;
	s3 =	sand.u32 $0x1, s0;
	s0 =	stileid.u32  }
0x6: {  	[smem:$0x7FF] =	sst s2;
	s1 =	sshll.u32 s3, $0x4;
	s6 =	sand.u32 $0x7, s0  }
0x7: {  	s3 =	ssub.s32 $0x2, s3;
	s4 =	sor.u32 s0, s1;
	p1 =	sne.s32 s6, $0x0  }
0x8: {  	s1 =	rddreg [dreg:$0x3];
	_ =	strace $0x80000047;
	p0 =	seq.s32 s4, $0x0  }
0x9: {  	s10 =	sshll.u32 s6, $0xC;
	s12 =	sshrl.u32 s3, $0x1;
	p0 =	por !p1, !p0  }
0xa: {  	s28 =	sshll.u32 s6, $0x14;
	s31 =	sshll.u32 s6, $0x11;
	p0 =	por !p0, !p0  }
0xb: {  	s4 =	sshrl.u32 s4, $0x3;
	s26 =	ssub.s32 s3, s12;
	s9 =	simm.s32 @!p0 $0x0  }
0xc: {  	s3 =	simm.s32 $0x1;
	s15 =	sor.u32 $0x1F000, s31;
	s4 =	ssub.s32 s4, s9  }
0xd: {  	s9 =	sshll.u32 s4, $0xD;
	s11 =	sshll.u32 s4, $0x7;
	s29 =	sshll.u32 s4, $0x14  }
0xe: {  	s9 =	sand.u32 $0xFFFF8000, s9;
	s25 =	sand.u32 $0x180, s11;
	s30 =	sand.u32 $0x1FF00000, s29  }
0xf: {  	s11 =	simm.s32 $0x3;
	s9 =	sor.u32 s10, s9;
	s5 =	sadd.s32 s5, s30  }
0x10: {  	s6 =	sadd.s32 s8, s30;
	s8 =	sadd.s32 $0xFFFF8000, s28;
	s10 =	simm.s32 $0x200  }
0x11: {  	v2 =	vlaneseq.u32;
	s9 =	sor.u32 s25, s9;
	s12 =	sadd.s32 $0x100, s5;
	s13 =	sadd.s32 $0x200, s5  }
0x12: {  	vm0 =	vmmov $0xffff;
	v1 =	vshrl.u32 v2, $0x3;
	s14 =	sadd.s32 $0x300, s5;
	s15 =	sadd.s32 s6, s15;
	s9 =	sshrl.u32 s9, $0x3  }
0x13: {  	v0 =	vand.u32 $0x7, v2;
	v2 =	vor.u32 $0x8, v2;
	v1 =	vmul.u32 $0x8, v1;
	s4 =	sadd.s32 s7, s9;
	s7 =	smax.u32 s26, $0x1;
	s9 =	simm.s32 $0x80  }
.LBB2_1:
0x14: {  	[tilespmem:s2], [sflag:$0x3] =	stream.strided.gather [hbm4b:s4+s9], $0x400, s10, s9, $0x38;
	[tilespmem:$0x18400] =	vst v63  }
0x15: {  	_ =	swait.ge [sflag:s11], $0x400  }
0x16: {  	s19 =	simm.s32 $0x10;
	[sflag:s11] =	ssyncset.done $0x0  }
0x17: {  	s20 =	smov.u32 s8;
	s21 =	simm.s32 $0x0;
	[sflag:s11] =	ssyncadd.s32 $0xFFFFFC00  }
.LBB2_2:
0x18: {  	p0 =	slt.u32 s21, $0x3  }
0x19: {  	s22 =	simm.s32 @!p0 $0x2  }
0x1a: {  	_ =	swait.ge @!p0 [sflag:s22], $0x8000  }
0x1b: {  	[sflag:s22] =	ssyncset.done @!p0 $0x0  }
0x1c: {  	[sflag:s22] =	ssyncadd.s32 @!p0 $0xFFFF8000  }
0x1d: {  	v3 =	vld [tilespmem:s19+$0xFFFFFFF0];
	_ =	sdelay $0x4  }
0x1e: {  	s23 =	smul.u32 $0xAB, s21;
	v4 =	vshll.u32 v3, $0x3  }
0x1f: {  	v3 =	vand.u32 $0x7, v3;
	v4 =	vand.u32 $0xFFFFFFC0, v4  }
0x20: {  	s22 =	sshrl.u32 s23, $0x9;
	v3 =	vor.u32 v3, v4  }
0x21: {  	s22 =	sand.u32 $0x7F, s22;
	v4 =	vperm.xlane v3, v0  }
0x22: {  	s22 =	smul.u32 $0x3, s22  }
0x23: {  	v4 =	vadd.s32 v1, v4  }
0x24: {  	s22 =	ssub.s32 s21, s22  }
0x25: {  	s22 =	sand.u32 $0xFF, s22  }
0x26: {  	s22 =	sshll.u32 s22, $0xF  }
0x27: {  	s23 =	sor.u32 $0x400, s22  }
0x28: {  	[tilespmem:s23], [sflag:$0x1] =	stream.indirect_vreg.gather [hbm4b:s5+s2], $0x80, v4, vm0, $0xb8;
	[tilespmem:$0x18400] =	vst v63  }
0x29: {  	s24 =	sor.u32 $0xC00, s22;
	v3 =	vperm.xlane v3, v2  }
0x2a: {  	[tilespmem:s24], [sflag:$0x1] =	stream.indirect_vreg.gather [hbm4b:s12+s2], $0x80, v4, vm0, $0xb8;
	[tilespmem:$0x18400] =	vst v63  }
0x2b: {  	s25 =	sor.u32 $0x1400, s22;
	v3 =	vadd.s32 v1, v3  }
0x2c: {  	[tilespmem:s25], [sflag:$0x1] =	stream.indirect_vreg.gather [hbm4b:s13+s2], $0x80, v4, vm0, $0xb8;
	[tilespmem:$0x18400] =	vst v63  }
0x2d: {  	s26 =	sor.u32 $0x1C00, s22  }
0x2e: {  	[tilespmem:s26], [sflag:$0x1] =	stream.indirect_vreg.gather [hbm4b:s14+s2], $0x80, v4, vm0, $0xb8;
	[tilespmem:$0x18400] =	vst v63  }
0x2f: {  	s28 =	sor.u32 $0x2400, s22  }
0x30: {  	[tilespmem:s28], [sflag:$0x1] =	stream.indirect_vreg.gather [hbm4b:s5+s2], $0x80, v3, vm0, $0xb8;
	[tilespmem:$0x18400] =	vst v63  }
0x31: {  	s29 =	sor.u32 $0x2C00, s22  }
0x32: {  	[tilespmem:s29], [sflag:$0x1] =	stream.indirect_vreg.gather [hbm4b:s12+s2], $0x80, v3, vm0, $0xb8;
	[tilespmem:$0x18400] =	vst v63  }
0x33: {  	s30 =	sor.u32 $0x3400, s22  }
0x34: {  	[tilespmem:s30], [sflag:$0x1] =	stream.indirect_vreg.gather [hbm4b:s13+s2], $0x80, v3, vm0, $0xb8;
	[tilespmem:$0x18400] =	vst v63  }
0x35: {  	s31 =	sor.u32 $0x3C00, s22  }
0x36: {  	[tilespmem:s31], [sflag:$0x1] =	stream.indirect_vreg.gather [hbm4b:s14+s2], $0x80, v3, vm0, $0xb8;
	[tilespmem:$0x18400] =	vst v63  }
0x37: {  	v3 =	vld [tilespmem:s19+$0x0];
	_ =	sdelay $0x4  }
0x38: {  	v63 =	vshll.u32 v3, $0x3  }
0x39: {  	v3 =	vand.u32 $0x7, v3;
	v4 =	vand.u32 $0xFFFFFFC0, v63  }
0x3a: {  	v3 =	vor.u32 v3, v4  }
0x3b: {  	v4 =	vperm.xlane v3, v0;
	_ =	sdelay $0x1  }
0x3c: {  	v4 =	vadd.s32 v1, v4;
	_ =	sdelay $0x3  }
0x3d: {  	s24 =	sor.u32 $0x4400, s22  }
0x3e: {  	[tilespmem:s24], [sflag:$0x1] =	stream.indirect_vreg.gather [hbm4b:s5+s2], $0x80, v4, vm0, $0xb8;
	[tilespmem:$0x18400] =	vst v63  }
0x3f: {  	s25 =	sor.u32 $0x4C00, s22;
	v3 =	vperm.xlane v3, v2  }
0x40: {  	[tilespmem:s25], [sflag:$0x1] =	stream.indirect_vreg.gather [hbm4b:s12+s2], $0x80, v4, vm0, $0xb8;
	[tilespmem:$0x18400] =	vst v63  }
0x41: {  	s26 =	sor.u32 $0x5400, s22;
	v3 =	vadd.s32 v1, v3  }
0x42: {  	[tilespmem:s26], [sflag:$0x1] =	stream.indirect_vreg.gather [hbm4b:s13+s2], $0x80, v4, vm0, $0xb8;
	[tilespmem:$0x18400] =	vst v63  }
0x43: {  	s28 =	sor.u32 $0x5C00, s22  }
0x44: {  	[tilespmem:s28], [sflag:$0x1] =	stream.indirect_vreg.gather [hbm4b:s14+s2], $0x80, v4, vm0, $0xb8;
	[tilespmem:$0x18400] =	vst v63  }
0x45: {  	p0 =	seq.s32 s21, $0x0;
	s29 =	sor.u32 $0x6400, s22  }
0x46: {  	[tilespmem:s29], [sflag:$0x1] =	stream.indirect_vreg.gather [hbm4b:s5+s2], $0x80, v3, vm0, $0xb8;
	[tilespmem:$0x18400] =	vst v63  }
0x47: {  	s23 =	sadd.s32 @!p0 $0xFFFFFFFF, s21;
	s30 =	sor.u32 $0x6C00, s22  }
0x48: {  	[tilespmem:s30], [sflag:$0x1] =	stream.indirect_vreg.gather [hbm4b:s12+s2], $0x80, v3, vm0, $0xb8;
	[tilespmem:$0x18400] =	vst v63  }
0x49: {  	s31 =	sor.u32 $0x7400, s22;
	s24 =	sand.u32 @!p0 $0xFF, s23  }
0x4a: {  	[tilespmem:s31], [sflag:$0x1] =	stream.indirect_vreg.gather [hbm4b:s13+s2], $0x80, v3, vm0, $0xb8;
	[tilespmem:$0x18400] =	vst v63  }
0x4b: {  	s22 =	sor.u32 $0x7C00, s22;
	s24 =	smul.u32 @!p0 $0xAB, s24  }
0x4c: {  	[tilespmem:s22], [sflag:$0x1] =	stream.indirect_vreg.gather [hbm4b:s14+s2], $0x80, v3, vm0, $0xb8;
	[tilespmem:$0x18400] =	vst v63  }
0x4d: {  	s22 =	sshrl.u32 @!p0 s24, $0x9  }
0x4e: {  	s22 =	smul.u32 @!p0 $0x3, s22  }
0x4f: {  	s24 =	simm.s32 @!p0 $0x1  }
0x50: {  	_ =	swait.ge @!p0 [sflag:s24], $0x8000;
	s22 =	ssub.s32 @!p0 s23, s22  }
0x51: {  	s21 =	sadd.s32 $0x1, s21;
	[sflag:s24] =	ssyncset.done @!p0 $0x0;
	s22 =	sand.u32 @!p0 $0xFF, s22  }
0x52: {  	[sflag:s24] =	ssyncadd.s32 @!p0 $0xFFFF8000;
	s23 =	sshrl.u32 @!p0 s20, $0x3;
	s22 =	sshll.u32 @!p0 s22, $0xF  }
0x53: {  	s24 =	simm.s32 @!p0 $0x0;
	s23 =	sadd.s32 @!p0 s23, s6;
	s22 =	sor.u32 @!p0 $0x400, s22  }
0x54: {  	[hbm4b:s23+s24] =	stream.linear.scatter @!p0 [tilespmem:s22], [sflag:$0x2], $0x8000, $0x38;
	[tilespmem:$0x18400] =	vst v63  }
0x55: {  	p0 =	sne.s32 s21, $0x20  }
.Ltmp0:
0x56: {  	_ = 	snop;
	(pc) =	sbr.rel @p0 .LBB2_2-.Ltmp0, $2  }
0x57: {  	_ =	sdelay $0x2  }
0x58: {  	s19 =	sadd.s32 $0x20, s19;
	s20 =	sadd.s32 $0x8000, s20  }
0x59: {  	_ =	swait.ge [sflag:s3], $0x8000  }
0x5a: {  	[sflag:s3] =	ssyncset.done $0x0  }
0x5b: {  	[sflag:s3] =	ssyncadd.s32 $0xFFFF8000  }
0x5c: {  	[hbm4b:s15+s2] =	stream.linear.scatter [tilespmem:s16], [sflag:$0x2], $0x8000, $0x38;
	[tilespmem:$0x18400] =	vst v63  }
0x5d: {  	_ =	swait.ge [sflag:s17], $0x8000  }
0x5e: {  	[sflag:s17] =	ssyncset.done $0x0  }
0x5f: {  	s18 =	sadd.s32 $0x1, s18;
	[sflag:s17] =	ssyncadd.s32 $0xFFFF8000  }
0x60: {  	p0 =	sne.s32 s18, s7;
	_ =	swait.ge [sflag:s17], $0x8000  }
.Ltmp1:
0x61: {  	[sflag:s17] =	ssyncset.done $0x0;
	(pc) =	sbr.rel @p0 .LBB2_1-.Ltmp1, $4  }
0x62: {  	[sflag:s17] =	ssyncadd.s32 $0xFFFF8000  }
0x63: {  	_ =	swait.ge [sflag:s17], $0x8000  }
0x64: {  	[sflag:s17] =	ssyncset.done $0x0  }
0x65: {  	[sflag:s17] =	ssyncadd.s32 $0xFFFF8000  }
0x66: {  	_ =	sfence.sel $0x180000  }
0x67: {  	[bflag:$0x0] =	sbarrier.arrive $0xFFFF  }
0x68: {  	p0 =	sne.s32 s0, $0x0;
	_ =	strace $0x90000047  }
0x69: {  	s0 =	sadd.s32 @!p0 $0x100000, s1;
	[bflag:$0x2] =	sbarrier.arrive $0xFFFF  }
0x6a: {  	[sflag:s0] =	ssyncadd.tile.s32 @!p0 $0x1;
	_ =	shalt  }
.Lfunc_end2:
_tile_overlayer_lowered:
.L_overlay_start_2:
0x6b: {  	(tag) =	ssettag $0x2  }
0x6c: {  	s0 =	rddreg [dreg:$0x0];
	s2 =	stileid.u32  }
0x6d: {  	s1 =	rddreg [dreg:$0x1];
	p0 =	sne.s32 s2, $0x0  }
0x6e: {  	s3 =	rddreg [dreg:$0x2];
	[bflag:$0x3] =	sbarrier.arrive $0xFFFF;
	s2 =	simm.s32 @!p0 $0x1C03  }
0x6f: {  	[timem:s3], [sflag:s2] =	dma.local @!p0 [hbm:s0], s1  }
0x70: {  	s0 =	simm.s32 @!p0 $0x3  }
0x71: {  	_ =	swait.ge @!p0 [sflag:s0], s1  }
0x72: {  	s1 =	ssub.s32 @!p0 $0x0, s1;
	[sflag:s0] =	ssyncset.done @!p0 $0x0  }
0x73: {  	[sflag:s0] =	ssyncadd.s32 @!p0 s1  }
0x74: {  	[bflag:$0x3] =	sbarrier.arrive $0xFFFF  }
0x75: {  	_ =	shalt  }

</sc_bundles>
